<compile_context>
chip_gen: v7x
topology: tpu7x:2x2x1
jax: 0.10.2.dev20260603
libtpu: 0.0.44.dev20260713+nightly
codegen_flags: <defaults>
</compile_context>

<pallas_src>
import functools

import jax
import jax.numpy as jnp
from jax import lax
from jax.experimental import pallas as pl
from jax.experimental.pallas import tpu as pltpu
from jax.experimental.pallas import tpu_sc as plsc


def _sc_broadcast_rows(b, s, d, dtype):
    info = plsc.get_sparse_core_info()
    nw = info.num_cores * info.num_subcores
    rows_per_w = s // nw
    chunk = rows_per_w
    while chunk * d * 4 > 256 * 1024:
        chunk //= 2
    n_chunks = rows_per_w // chunk
    mesh = plsc.VectorSubcoreMesh(core_axis_name="c", subcore_axis_name="s")

    @functools.partial(
        pl.kernel,
        mesh=mesh,
        out_type=jax.ShapeDtypeStruct((b, s, d), dtype),
        scratch_types=[
            pltpu.VMEM((n_chunks, chunk, d), dtype),
            pltpu.SemaphoreType.DMA,
            pltpu.SemaphoreType.DMA,
        ],
    )
    def k(table_hbm, out_hbm, buf, rsem, wsem):
        wid = lax.axis_index("s") * info.num_cores + lax.axis_index("c")
        base = wid * rows_per_w
        reads = []
        for i in range(n_chunks):
            r0 = base + i * chunk
            reads.append(
                pltpu.async_copy(table_hbm.at[pl.ds(r0, chunk)], buf.at[i], rsem)
            )
        writes = []
        for i in range(n_chunks):
            reads[i].wait()
            r0 = base + i * chunk
            for j in range(b):
                bb = (wid + j) % b
                writes.append(
                    pltpu.async_copy(buf.at[i], out_hbm.at[bb, pl.ds(r0, chunk)], wsem)
                )
        for w in writes:
            w.wait()

    return k


def kernel(x, pos_table):
    b, s, _ = x.shape
    d = pos_table.shape[1]
    return _sc_broadcast_rows(b, s, d, pos_table.dtype)(pos_table)

# --- scband reference (transcript-rebuilt; emitter-appended) ---
"""Pipeline reference for scband-rel-position-embedding-28200755265933 (READ-ONLY COPY).

The authoritative reference and input builder live on the scoring server;
editing this copy changes nothing except your own understanding.
"""

import jax, jax.numpy as jnp
import numpy as np


def _make_pos_table(max_len, d_model):
    pos = np.arange(max_len, dtype=np.float32)[:, None]
    div_term = np.exp(np.arange(0, d_model, 2, dtype=np.float32) * (-np.log(10000.0) / d_model))
    table = np.zeros((max_len, d_model), dtype=np.float32)
    table[:, 0::2] = np.sin(pos * div_term)
    table[:, 1::2] = np.cos(pos * div_term)
    return jnp.asarray(table)


def setup_inputs(seed: int = 0) -> dict:
    key = jax.random.key(seed)
    x = jax.random.normal(key, (4, 4096, 1024), dtype=jnp.float32)
    pos_table = _make_pos_table(8192, 1024)
    return {"x": x, "pos_table": pos_table}


def reference(x, pos_table):
    b = x.shape[0]
    s = x.shape[1]
    pos = jnp.arange(s, dtype=jnp.int32)
    pos = jnp.broadcast_to(pos[None, :], (b, s))
    pos_emb = jnp.take(pos_table, pos, axis=0)
    return pos_emb

if __name__ == "__main__":
    import jax
    _d = setup_inputs()
    print(jax.jit(kernel)(*tuple(_d.values())))

</pallas_src>

<mosaic_0001>
#map = affine_map<(d0, d1) -> (0, 0)>
#map1 = affine_map<(d0, d1) -> (0, 0, 0)>
module attributes {stable_mosaic.version = 14 : i64} {
  func.func @k(%arg0: i32, %arg1: i32, %arg2: memref<8192x1024xf32, #tpu.memory_space<hbm>>, %arg3: memref<4x4096x1024xf32, #tpu.memory_space<hbm>>, %arg4: memref<2x64x1024xf32, #tpu.memory_space<vmem>>, %arg5: memref<!tpu.dma_semaphore, #tpu.memory_space<semaphore_mem>>, %arg6: memref<!tpu.dma_semaphore, #tpu.memory_space<semaphore_mem>>) attributes {dimension_semantics = [#tpu.dimension_semantics<core_parallel>, #tpu.dimension_semantics<subcore_parallel>], iteration_bounds = array<i64: 2, 16>, scalar_prefetch = 0 : i64, scratch_operands = 3 : i64, tpu.core_type = #tpu.core_type<sc_vector_subcore>, window_params = [{transform_indices = #map}, {transform_indices = #map1}]} {
    %mul3A = arith.constant 2 : i32
    %mul3A_0 = arith.muli %arg1, %mul3A : i32
    %add3A = arith.addi %mul3A_0, %arg0 : i32
    %mul3A_1 = arith.constant 128 : i32
    %mul3A_2 = arith.muli %add3A, %mul3A_1 : i32
    %add3A_3 = arith.constant 0 : i32
    %add3A_4 = arith.addi %mul3A_2, %add3A_3 : i32
    %dma_start3A = arith.constant 0 : i32
    %dma_start3A_5 = arith.constant 0 : i32
    %dma_start3A_6 = arith.constant 0 : i32
    %dma_start3A_7 = tpu.memref_slice %arg4[%dma_start3A, %dma_start3A_5, %dma_start3A_6] : memref<2x64x1024xf32, #tpu.memory_space<vmem>> -> memref<1x64x1024xf32, #tpu.memory_space<vmem>>
    %dma_start3A_8 = tpu.memref_squeeze %dma_start3A_7 : memref<1x64x1024xf32, #tpu.memory_space<vmem>> -> memref<64x1024xf32, #tpu.memory_space<vmem>>
    %dma_start3A_9 = arith.constant 0 : i32
    %dma_start3A_10 = tpu.memref_slice %arg2[%add3A_4, %dma_start3A_9] : memref<8192x1024xf32, #tpu.memory_space<hbm>> -> memref<64x1024xf32, #tpu.memory_space<hbm>>
    %dma_start3A_11 = arith.constant 0 : i32
    %dma_start3A_12 = arith.constant 0 : i32
    %dma_start3A_13 = tpu.memref_slice %arg4[%dma_start3A, %dma_start3A_11, %dma_start3A_12] : memref<2x64x1024xf32, #tpu.memory_space<vmem>> -> memref<1x64x1024xf32, #tpu.memory_space<vmem>>
    %dma_start3A_14 = tpu.memref_squeeze %dma_start3A_13 : memref<1x64x1024xf32, #tpu.memory_space<vmem>> -> memref<64x1024xf32, #tpu.memory_space<vmem>>
    %dma_start3A_15 = arith.constant 0 : i32
    %dma_start3A_16 = tpu.memref_slice %arg2[%add3A_4, %dma_start3A_15] : memref<8192x1024xf32, #tpu.memory_space<hbm>> -> memref<64x1024xf32, #tpu.memory_space<hbm>>
    tpu.enqueue_dma source(%dma_start3A_16 : memref<64x1024xf32, #tpu.memory_space<hbm>>) target(%dma_start3A_14 : memref<64x1024xf32, #tpu.memory_space<vmem>>) target_semaphore(%arg5 : memref<!tpu.dma_semaphore, #tpu.memory_space<semaphore_mem>>)
    %add3A_17 = arith.constant 64 : i32
    %add3A_18 = arith.addi %mul3A_2, %add3A_17 : i32
    %dma_start3A_19 = arith.constant 1 : i32
    %dma_start3A_20 = arith.constant 0 : i32
    %dma_start3A_21 = arith.constant 0 : i32
    %dma_start3A_22 = tpu.memref_slice %arg4[%dma_start3A_19, %dma_start3A_20, %dma_start3A_21] : memref<2x64x1024xf32, #tpu.memory_space<vmem>> -> memref<1x64x1024xf32, #tpu.memory_space<vmem>>
    %dma_start3A_23 = tpu.memref_squeeze %dma_start3A_22 : memref<1x64x1024xf32, #tpu.memory_space<vmem>> -> memref<64x1024xf32, #tpu.memory_space<vmem>>
    %dma_start3A_24 = arith.constant 0 : i32
    %dma_start3A_25 = tpu.memref_slice %arg2[%add3A_18, %dma_start3A_24] : memref<8192x1024xf32, #tpu.memory_space<hbm>> -> memref<64x1024xf32, #tpu.memory_space<hbm>>
    %dma_start3A_26 = arith.constant 0 : i32
    %dma_start3A_27 = arith.constant 0 : i32
    %dma_start3A_28 = tpu.memref_slice %arg4[%dma_start3A_19, %dma_start3A_26, %dma_start3A_27] : memref<2x64x1024xf32, #tpu.memory_space<vmem>> -> memref<1x64x1024xf32, #tpu.memory_space<vmem>>
    %dma_start3A_29 = tpu.memref_squeeze %dma_start3A_28 : memref<1x64x1024xf32, #tpu.memory_space<vmem>> -> memref<64x1024xf32, #tpu.memory_space<vmem>>
    %dma_start3A_30 = arith.constant 0 : i32
    %dma_start3A_31 = tpu.memref_slice %arg2[%add3A_18, %dma_start3A_30] : memref<8192x1024xf32, #tpu.memory_space<hbm>> -> memref<64x1024xf32, #tpu.memory_space<hbm>>
    tpu.enqueue_dma source(%dma_start3A_31 : memref<64x1024xf32, #tpu.memory_space<hbm>>) target(%dma_start3A_29 : memref<64x1024xf32, #tpu.memory_space<vmem>>) target_semaphore(%arg5 : memref<!tpu.dma_semaphore, #tpu.memory_space<semaphore_mem>>)
    %dma_wait3A = arith.constant 0 : i32
    %dma_wait3A_32 = arith.constant 0 : i32
    %dma_wait3A_33 = arith.constant 0 : i32
    %dma_wait3A_34 = tpu.memref_slice %arg4[%dma_wait3A, %dma_wait3A_32, %dma_wait3A_33] : memref<2x64x1024xf32, #tpu.memory_space<vmem>> -> memref<1x64x1024xf32, #tpu.memory_space<vmem>>
    %dma_wait3A_35 = tpu.memref_squeeze %dma_wait3A_34 : memref<1x64x1024xf32, #tpu.memory_space<vmem>> -> memref<64x1024xf32, #tpu.memory_space<vmem>>
    %dma_wait3A_36 = arith.constant 0 : i32
    %dma_wait3A_37 = tpu.memref_slice %arg2[%add3A_4, %dma_wait3A_36] : memref<8192x1024xf32, #tpu.memory_space<hbm>> -> memref<64x1024xf32, #tpu.memory_space<hbm>>
    %dma_wait3A_38 = arith.constant 0 : i32
    %dma_wait3A_39 = arith.constant 0 : i32
    %dma_wait3A_40 = tpu.memref_slice %arg4[%dma_wait3A, %dma_wait3A_38, %dma_wait3A_39] : memref<2x64x1024xf32, #tpu.memory_space<vmem>> -> memref<1x64x1024xf32, #tpu.memory_space<vmem>>
    %dma_wait3A_41 = tpu.memref_squeeze %dma_wait3A_40 : memref<1x64x1024xf32, #tpu.memory_space<vmem>> -> memref<64x1024xf32, #tpu.memory_space<vmem>>
    %dma_wait3A_42 = arith.constant 0 : i32
    %dma_wait3A_43 = tpu.memref_slice %arg2[%add3A_4, %dma_wait3A_42] : memref<8192x1024xf32, #tpu.memory_space<hbm>> -> memref<64x1024xf32, #tpu.memory_space<hbm>>
    tpu.wait_dma2 semaphore(%arg5 : memref<!tpu.dma_semaphore, #tpu.memory_space<semaphore_mem>>) src(%dma_wait3A_43 : memref<64x1024xf32, #tpu.memory_space<hbm>>) dst(%dma_wait3A_41 : memref<64x1024xf32, #tpu.memory_space<vmem>>)
    %add3A_44 = arith.constant 0 : i32
    %add3A_45 = arith.addi %mul3A_2, %add3A_44 : i32
    %add3A_46 = arith.constant 0 : i32
    %add3A_47 = arith.addi %add3A, %add3A_46 : i32
    %jit3A = arith.constant 4 : i32
    %eq3A = arith.constant 0 : i32
    %eq3A_48 = arith.cmpi eq, %jit3A, %eq3A : i32
    %jit3A_49 = arith.constant 1 : i32
    %select_n3A = arith.select %eq3A_48, %jit3A_49, %jit3A : i32
    %rem3A = arith.remsi %add3A_47, %select_n3A : i32
    %ne3A = arith.constant 0 : i32
    %ne3A_50 = arith.cmpi ne, %rem3A, %ne3A : i32
    %lt3A = arith.constant 0 : i32
    %lt3A_51 = arith.cmpi slt, %rem3A, %lt3A : i32
    %lt3A_52 = arith.constant 0 : i32
    %lt3A_53 = arith.cmpi slt, %select_n3A, %lt3A_52 : i32
    %ne3A_54 = arith.xori %lt3A_51, %lt3A_53 : i1
    %and3A = arith.andi %ne3A_54, %ne3A_50 : i1
    %add3A_55 = arith.addi %rem3A, %select_n3A : i32
    %select_n3A_56 = arith.select %and3A, %add3A_55, %rem3A : i32
    %dma_start3A_57 = arith.constant 0 : i32
    %dma_start3A_58 = arith.constant 0 : i32
    %dma_start3A_59 = arith.constant 0 : i32
    %dma_start3A_60 = tpu.memref_slice %arg4[%dma_start3A_57, %dma_start3A_58, %dma_start3A_59] : memref<2x64x1024xf32, #tpu.memory_space<vmem>> -> memref<1x64x1024xf32, #tpu.memory_space<vmem>>
    %dma_start3A_61 = tpu.memref_squeeze %dma_start3A_60 : memref<1x64x1024xf32, #tpu.memory_space<vmem>> -> memref<64x1024xf32, #tpu.memory_space<vmem>>
    %dma_start3A_62 = arith.constant 0 : i32
    %dma_start3A_63 = tpu.memref_slice %arg3[%select_n3A_56, %add3A_45, %dma_start3A_62] : memref<4x4096x1024xf32, #tpu.memory_space<hbm>> -> memref<1x64x1024xf32, #tpu.memory_space<hbm>>
    %dma_start3A_64 = tpu.memref_squeeze %dma_start3A_63 : memref<1x64x1024xf32, #tpu.memory_space<hbm>> -> memref<64x1024xf32, #tpu.memory_space<hbm>>
    %dma_start3A_65 = arith.constant 0 : i32
    %dma_start3A_66 = tpu.memref_slice %arg3[%select_n3A_56, %add3A_45, %dma_start3A_65] : memref<4x4096x1024xf32, #tpu.memory_space<hbm>> -> memref<1x64x1024xf32, #tpu.memory_space<hbm>>
    %dma_start3A_67 = tpu.memref_squeeze %dma_start3A_66 : memref<1x64x1024xf32, #tpu.memory_space<hbm>> -> memref<64x1024xf32, #tpu.memory_space<hbm>>
    %dma_start3A_68 = arith.constant 0 : i32
    %dma_start3A_69 = arith.constant 0 : i32
    %dma_start3A_70 = tpu.memref_slice %arg4[%dma_start3A_57, %dma_start3A_68, %dma_start3A_69] : memref<2x64x1024xf32, #tpu.memory_space<vmem>> -> memref<1x64x1024xf32, #tpu.memory_space<vmem>>
    %dma_start3A_71 = tpu.memref_squeeze %dma_start3A_70 : memref<1x64x1024xf32, #tpu.memory_space<vmem>> -> memref<64x1024xf32, #tpu.memory_space<vmem>>
    tpu.enqueue_dma source(%dma_start3A_71 : memref<64x1024xf32, #tpu.memory_space<vmem>>) target(%dma_start3A_67 : memref<64x1024xf32, #tpu.memory_space<hbm>>) target_semaphore(%arg6 : memref<!tpu.dma_semaphore, #tpu.memory_space<semaphore_mem>>)
    %add3A_72 = arith.constant 1 : i32
    %add3A_73 = arith.addi %add3A, %add3A_72 : i32
    %jit3A_74 = arith.constant 4 : i32
    %eq3A_75 = arith.constant 0 : i32
    %eq3A_76 = arith.cmpi eq, %jit3A_74, %eq3A_75 : i32
    %jit3A_77 = arith.constant 1 : i32
    %select_n3A_78 = arith.select %eq3A_76, %jit3A_77, %jit3A_74 : i32
    %rem3A_79 = arith.remsi %add3A_73, %select_n3A_78 : i32
    %ne3A_80 = arith.constant 0 : i32
    %ne3A_81 = arith.cmpi ne, %rem3A_79, %ne3A_80 : i32
    %lt3A_82 = arith.constant 0 : i32
    %lt3A_83 = arith.cmpi slt, %rem3A_79, %lt3A_82 : i32
    %lt3A_84 = arith.constant 0 : i32
    %lt3A_85 = arith.cmpi slt, %select_n3A_78, %lt3A_84 : i32
    %ne3A_86 = arith.xori %lt3A_83, %lt3A_85 : i1
    %and3A_87 = arith.andi %ne3A_86, %ne3A_81 : i1
    %add3A_88 = arith.addi %rem3A_79, %select_n3A_78 : i32
    %select_n3A_89 = arith.select %and3A_87, %add3A_88, %rem3A_79 : i32
    %dma_start3A_90 = arith.constant 0 : i32
    %dma_start3A_91 = arith.constant 0 : i32
    %dma_start3A_92 = arith.constant 0 : i32
    %dma_start3A_93 = tpu.memref_slice %arg4[%dma_start3A_90, %dma_start3A_91, %dma_start3A_92] : memref<2x64x1024xf32, #tpu.memory_space<vmem>> -> memref<1x64x1024xf32, #tpu.memory_space<vmem>>
    %dma_start3A_94 = tpu.memref_squeeze %dma_start3A_93 : memref<1x64x1024xf32, #tpu.memory_space<vmem>> -> memref<64x1024xf32, #tpu.memory_space<vmem>>
    %dma_start3A_95 = arith.constant 0 : i32
    %dma_start3A_96 = tpu.memref_slice %arg3[%select_n3A_89, %add3A_45, %dma_start3A_95] : memref<4x4096x1024xf32, #tpu.memory_space<hbm>> -> memref<1x64x1024xf32, #tpu.memory_space<hbm>>
    %dma_start3A_97 = tpu.memref_squeeze %dma_start3A_96 : memref<1x64x1024xf32, #tpu.memory_space<hbm>> -> memref<64x1024xf32, #tpu.memory_space<hbm>>
    %dma_start3A_98 = arith.constant 0 : i32
    %dma_start3A_99 = tpu.memref_slice %arg3[%select_n3A_89, %add3A_45, %dma_start3A_98] : memref<4x4096x1024xf32, #tpu.memory_space<hbm>> -> memref<1x64x1024xf32, #tpu.memory_space<hbm>>
    %dma_start3A_100 = tpu.memref_squeeze %dma_start3A_99 : memref<1x64x1024xf32, #tpu.memory_space<hbm>> -> memref<64x1024xf32, #tpu.memory_space<hbm>>
    %dma_start3A_101 = arith.constant 0 : i32
    %dma_start3A_102 = arith.constant 0 : i32
    %dma_start3A_103 = tpu.memref_slice %arg4[%dma_start3A_90, %dma_start3A_101, %dma_start3A_102] : memref<2x64x1024xf32, #tpu.memory_space<vmem>> -> memref<1x64x1024xf32, #tpu.memory_space<vmem>>
    %dma_start3A_104 = tpu.memref_squeeze %dma_start3A_103 : memref<1x64x1024xf32, #tpu.memory_space<vmem>> -> memref<64x1024xf32, #tpu.memory_space<vmem>>
    tpu.enqueue_dma source(%dma_start3A_104 : memref<64x1024xf32, #tpu.memory_space<vmem>>) target(%dma_start3A_100 : memref<64x1024xf32, #tpu.memory_space<hbm>>) target_semaphore(%arg6 : memref<!tpu.dma_semaphore, #tpu.memory_space<semaphore_mem>>)
    %add3A_105 = arith.constant 2 : i32
    %add3A_106 = arith.addi %add3A, %add3A_105 : i32
    %jit3A_107 = arith.constant 4 : i32
    %eq3A_108 = arith.constant 0 : i32
    %eq3A_109 = arith.cmpi eq, %jit3A_107, %eq3A_108 : i32
    %jit3A_110 = arith.constant 1 : i32
    %select_n3A_111 = arith.select %eq3A_109, %jit3A_110, %jit3A_107 : i32
    %rem3A_112 = arith.remsi %add3A_106, %select_n3A_111 : i32
    %ne3A_113 = arith.constant 0 : i32
    %ne3A_114 = arith.cmpi ne, %rem3A_112, %ne3A_113 : i32
    %lt3A_115 = arith.constant 0 : i32
    %lt3A_116 = arith.cmpi slt, %rem3A_112, %lt3A_115 : i32
    %lt3A_117 = arith.constant 0 : i32
    %lt3A_118 = arith.cmpi slt, %select_n3A_111, %lt3A_117 : i32
    %ne3A_119 = arith.xori %lt3A_116, %lt3A_118 : i1
    %and3A_120 = arith.andi %ne3A_119, %ne3A_114 : i1
    %add3A_121 = arith.addi %rem3A_112, %select_n3A_111 : i32
    %select_n3A_122 = arith.select %and3A_120, %add3A_121, %rem3A_112 : i32
    %dma_start3A_123 = arith.constant 0 : i32
    %dma_start3A_124 = arith.constant 0 : i32
    %dma_start3A_125 = arith.constant 0 : i32
    %dma_start3A_126 = tpu.memref_slice %arg4[%dma_start3A_123, %dma_start3A_124, %dma_start3A_125] : memref<2x64x1024xf32, #tpu.memory_space<vmem>> -> memref<1x64x1024xf32, #tpu.memory_space<vmem>>
    %dma_start3A_127 = tpu.memref_squeeze %dma_start3A_126 : memref<1x64x1024xf32, #tpu.memory_space<vmem>> -> memref<64x1024xf32, #tpu.memory_space<vmem>>
    %dma_start3A_128 = arith.constant 0 : i32
    %dma_start3A_129 = tpu.memref_slice %arg3[%select_n3A_122, %add3A_45, %dma_start3A_128] : memref<4x4096x1024xf32, #tpu.memory_space<hbm>> -> memref<1x64x1024xf32, #tpu.memory_space<hbm>>
    %dma_start3A_130 = tpu.memref_squeeze %dma_start3A_129 : memref<1x64x1024xf32, #tpu.memory_space<hbm>> -> memref<64x1024xf32, #tpu.memory_space<hbm>>
    %dma_start3A_131 = arith.constant 0 : i32
    %dma_start3A_132 = tpu.memref_slice %arg3[%select_n3A_122, %add3A_45, %dma_start3A_131] : memref<4x4096x1024xf32, #tpu.memory_space<hbm>> -> memref<1x64x1024xf32, #tpu.memory_space<hbm>>
    %dma_start3A_133 = tpu.memref_squeeze %dma_start3A_132 : memref<1x64x1024xf32, #tpu.memory_space<hbm>> -> memref<64x1024xf32, #tpu.memory_space<hbm>>
    %dma_start3A_134 = arith.constant 0 : i32
    %dma_start3A_135 = arith.constant 0 : i32
    %dma_start3A_136 = tpu.memref_slice %arg4[%dma_start3A_123, %dma_start3A_134, %dma_start3A_135] : memref<2x64x1024xf32, #tpu.memory_space<vmem>> -> memref<1x64x1024xf32, #tpu.memory_space<vmem>>
    %dma_start3A_137 = tpu.memref_squeeze %dma_start3A_136 : memref<1x64x1024xf32, #tpu.memory_space<vmem>> -> memref<64x1024xf32, #tpu.memory_space<vmem>>
    tpu.enqueue_dma source(%dma_start3A_137 : memref<64x1024xf32, #tpu.memory_space<vmem>>) target(%dma_start3A_133 : memref<64x1024xf32, #tpu.memory_space<hbm>>) target_semaphore(%arg6 : memref<!tpu.dma_semaphore, #tpu.memory_space<semaphore_mem>>)
    %add3A_138 = arith.constant 3 : i32
    %add3A_139 = arith.addi %add3A, %add3A_138 : i32
    %jit3A_140 = arith.constant 4 : i32
    %eq3A_141 = arith.constant 0 : i32
    %eq3A_142 = arith.cmpi eq, %jit3A_140, %eq3A_141 : i32
    %jit3A_143 = arith.constant 1 : i32
    %select_n3A_144 = arith.select %eq3A_142, %jit3A_143, %jit3A_140 : i32
    %rem3A_145 = arith.remsi %add3A_139, %select_n3A_144 : i32
    %ne3A_146 = arith.constant 0 : i32
    %ne3A_147 = arith.cmpi ne, %rem3A_145, %ne3A_146 : i32
    %lt3A_148 = arith.constant 0 : i32
    %lt3A_149 = arith.cmpi slt, %rem3A_145, %lt3A_148 : i32
    %lt3A_150 = arith.constant 0 : i32
    %lt3A_151 = arith.cmpi slt, %select_n3A_144, %lt3A_150 : i32
    %ne3A_152 = arith.xori %lt3A_149, %lt3A_151 : i1
    %and3A_153 = arith.andi %ne3A_152, %ne3A_147 : i1
    %add3A_154 = arith.addi %rem3A_145, %select_n3A_144 : i32
    %select_n3A_155 = arith.select %and3A_153, %add3A_154, %rem3A_145 : i32
    %dma_start3A_156 = arith.constant 0 : i32
    %dma_start3A_157 = arith.constant 0 : i32
    %dma_start3A_158 = arith.constant 0 : i32
    %dma_start3A_159 = tpu.memref_slice %arg4[%dma_start3A_156, %dma_start3A_157, %dma_start3A_158] : memref<2x64x1024xf32, #tpu.memory_space<vmem>> -> memref<1x64x1024xf32, #tpu.memory_space<vmem>>
    %dma_start3A_160 = tpu.memref_squeeze %dma_start3A_159 : memref<1x64x1024xf32, #tpu.memory_space<vmem>> -> memref<64x1024xf32, #tpu.memory_space<vmem>>
    %dma_start3A_161 = arith.constant 0 : i32
    %dma_start3A_162 = tpu.memref_slice %arg3[%select_n3A_155, %add3A_45, %dma_start3A_161] : memref<4x4096x1024xf32, #tpu.memory_space<hbm>> -> memref<1x64x1024xf32, #tpu.memory_space<hbm>>
    %dma_start3A_163 = tpu.memref_squeeze %dma_start3A_162 : memref<1x64x1024xf32, #tpu.memory_space<hbm>> -> memref<64x1024xf32, #tpu.memory_space<hbm>>
    %dma_start3A_164 = arith.constant 0 : i32
    %dma_start3A_165 = tpu.memref_slice %arg3[%select_n3A_155, %add3A_45, %dma_start3A_164] : memref<4x4096x1024xf32, #tpu.memory_space<hbm>> -> memref<1x64x1024xf32, #tpu.memory_space<hbm>>
    %dma_start3A_166 = tpu.memref_squeeze %dma_start3A_165 : memref<1x64x1024xf32, #tpu.memory_space<hbm>> -> memref<64x1024xf32, #tpu.memory_space<hbm>>
    %dma_start3A_167 = arith.constant 0 : i32
    %dma_start3A_168 = arith.constant 0 : i32
    %dma_start3A_169 = tpu.memref_slice %arg4[%dma_start3A_156, %dma_start3A_167, %dma_start3A_168] : memref<2x64x1024xf32, #tpu.memory_space<vmem>> -> memref<1x64x1024xf32, #tpu.memory_space<vmem>>
    %dma_start3A_170 = tpu.memref_squeeze %dma_start3A_169 : memref<1x64x1024xf32, #tpu.memory_space<vmem>> -> memref<64x1024xf32, #tpu.memory_space<vmem>>
    tpu.enqueue_dma source(%dma_start3A_170 : memref<64x1024xf32, #tpu.memory_space<vmem>>) target(%dma_start3A_166 : memref<64x1024xf32, #tpu.memory_space<hbm>>) target_semaphore(%arg6 : memref<!tpu.dma_semaphore, #tpu.memory_space<semaphore_mem>>)
    %dma_wait3A_171 = arith.constant 1 : i32
    %dma_wait3A_172 = arith.constant 0 : i32
    %dma_wait3A_173 = arith.constant 0 : i32
    %dma_wait3A_174 = tpu.memref_slice %arg4[%dma_wait3A_171, %dma_wait3A_172, %dma_wait3A_173] : memref<2x64x1024xf32, #tpu.memory_space<vmem>> -> memref<1x64x1024xf32, #tpu.memory_space<vmem>>
    %dma_wait3A_175 = tpu.memref_squeeze %dma_wait3A_174 : memref<1x64x1024xf32, #tpu.memory_space<vmem>> -> memref<64x1024xf32, #tpu.memory_space<vmem>>
    %dma_wait3A_176 = arith.constant 0 : i32
    %dma_wait3A_177 = tpu.memref_slice %arg2[%add3A_18, %dma_wait3A_176] : memref<8192x1024xf32, #tpu.memory_space<hbm>> -> memref<64x1024xf32, #tpu.memory_space<hbm>>
    %dma_wait3A_178 = arith.constant 0 : i32
    %dma_wait3A_179 = arith.constant 0 : i32
    %dma_wait3A_180 = tpu.memref_slice %arg4[%dma_wait3A_171, %dma_wait3A_178, %dma_wait3A_179] : memref<2x64x1024xf32, #tpu.memory_space<vmem>> -> memref<1x64x1024xf32, #tpu.memory_space<vmem>>
    %dma_wait3A_181 = tpu.memref_squeeze %dma_wait3A_180 : memref<1x64x1024xf32, #tpu.memory_space<vmem>> -> memref<64x1024xf32, #tpu.memory_space<vmem>>
    %dma_wait3A_182 = arith.constant 0 : i32
    %dma_wait3A_183 = tpu.memref_slice %arg2[%add3A_18, %dma_wait3A_182] : memref<8192x1024xf32, #tpu.memory_space<hbm>> -> memref<64x1024xf32, #tpu.memory_space<hbm>>
    tpu.wait_dma2 semaphore(%arg5 : memref<!tpu.dma_semaphore, #tpu.memory_space<semaphore_mem>>) src(%dma_wait3A_183 : memref<64x1024xf32, #tpu.memory_space<hbm>>) dst(%dma_wait3A_181 : memref<64x1024xf32, #tpu.memory_space<vmem>>)
    %add3A_184 = arith.constant 64 : i32
    %add3A_185 = arith.addi %mul3A_2, %add3A_184 : i32
    %add3A_186 = arith.constant 0 : i32
    %add3A_187 = arith.addi %add3A, %add3A_186 : i32
    %jit3A_188 = arith.constant 4 : i32
    %eq3A_189 = arith.constant 0 : i32
    %eq3A_190 = arith.cmpi eq, %jit3A_188, %eq3A_189 : i32
    %jit3A_191 = arith.constant 1 : i32
    %select_n3A_192 = arith.select %eq3A_190, %jit3A_191, %jit3A_188 : i32
    %rem3A_193 = arith.remsi %add3A_187, %select_n3A_192 : i32
    %ne3A_194 = arith.constant 0 : i32
    %ne3A_195 = arith.cmpi ne, %rem3A_193, %ne3A_194 : i32
    %lt3A_196 = arith.constant 0 : i32
    %lt3A_197 = arith.cmpi slt, %rem3A_193, %lt3A_196 : i32
    %lt3A_198 = arith.constant 0 : i32
    %lt3A_199 = arith.cmpi slt, %select_n3A_192, %lt3A_198 : i32
    %ne3A_200 = arith.xori %lt3A_197, %lt3A_199 : i1
    %and3A_201 = arith.andi %ne3A_200, %ne3A_195 : i1
    %add3A_202 = arith.addi %rem3A_193, %select_n3A_192 : i32
    %select_n3A_203 = arith.select %and3A_201, %add3A_202, %rem3A_193 : i32
    %dma_start3A_204 = arith.constant 1 : i32
    %dma_start3A_205 = arith.constant 0 : i32
    %dma_start3A_206 = arith.constant 0 : i32
    %dma_start3A_207 = tpu.memref_slice %arg4[%dma_start3A_204, %dma_start3A_205, %dma_start3A_206] : memref<2x64x1024xf32, #tpu.memory_space<vmem>> -> memref<1x64x1024xf32, #tpu.memory_space<vmem>>
    %dma_start3A_208 = tpu.memref_squeeze %dma_start3A_207 : memref<1x64x1024xf32, #tpu.memory_space<vmem>> -> memref<64x1024xf32, #tpu.memory_space<vmem>>
    %dma_start3A_209 = arith.constant 0 : i32
    %dma_start3A_210 = tpu.memref_slice %arg3[%select_n3A_203, %add3A_185, %dma_start3A_209] : memref<4x4096x1024xf32, #tpu.memory_space<hbm>> -> memref<1x64x1024xf32, #tpu.memory_space<hbm>>
    %dma_start3A_211 = tpu.memref_squeeze %dma_start3A_210 : memref<1x64x1024xf32, #tpu.memory_space<hbm>> -> memref<64x1024xf32, #tpu.memory_space<hbm>>
    %dma_start3A_212 = arith.constant 0 : i32
    %dma_start3A_213 = tpu.memref_slice %arg3[%select_n3A_203, %add3A_185, %dma_start3A_212] : memref<4x4096x1024xf32, #tpu.memory_space<hbm>> -> memref<1x64x1024xf32, #tpu.memory_space<hbm>>
    %dma_start3A_214 = tpu.memref_squeeze %dma_start3A_213 : memref<1x64x1024xf32, #tpu.memory_space<hbm>> -> memref<64x1024xf32, #tpu.memory_space<hbm>>
    %dma_start3A_215 = arith.constant 0 : i32
    %dma_start3A_216 = arith.constant 0 : i32
    %dma_start3A_217 = tpu.memref_slice %arg4[%dma_start3A_204, %dma_start3A_215, %dma_start3A_216] : memref<2x64x1024xf32, #tpu.memory_space<vmem>> -> memref<1x64x1024xf32, #tpu.memory_space<vmem>>
    %dma_start3A_218 = tpu.memref_squeeze %dma_start3A_217 : memref<1x64x1024xf32, #tpu.memory_space<vmem>> -> memref<64x1024xf32, #tpu.memory_space<vmem>>
    tpu.enqueue_dma source(%dma_start3A_218 : memref<64x1024xf32, #tpu.memory_space<vmem>>) target(%dma_start3A_214 : memref<64x1024xf32, #tpu.memory_space<hbm>>) target_semaphore(%arg6 : memref<!tpu.dma_semaphore, #tpu.memory_space<semaphore_mem>>)
    %add3A_219 = arith.constant 1 : i32
    %add3A_220 = arith.addi %add3A, %add3A_219 : i32
    %jit3A_221 = arith.constant 4 : i32
    %eq3A_222 = arith.constant 0 : i32
    %eq3A_223 = arith.cmpi eq, %jit3A_221, %eq3A_222 : i32
    %jit3A_224 = arith.constant 1 : i32
    %select_n3A_225 = arith.select %eq3A_223, %jit3A_224, %jit3A_221 : i32
    %rem3A_226 = arith.remsi %add3A_220, %select_n3A_225 : i32
    %ne3A_227 = arith.constant 0 : i32
    %ne3A_228 = arith.cmpi ne, %rem3A_226, %ne3A_227 : i32
    %lt3A_229 = arith.constant 0 : i32
    %lt3A_230 = arith.cmpi slt, %rem3A_226, %lt3A_229 : i32
    %lt3A_231 = arith.constant 0 : i32
    %lt3A_232 = arith.cmpi slt, %select_n3A_225, %lt3A_231 : i32
    %ne3A_233 = arith.xori %lt3A_230, %lt3A_232 : i1
    %and3A_234 = arith.andi %ne3A_233, %ne3A_228 : i1
    %add3A_235 = arith.addi %rem3A_226, %select_n3A_225 : i32
    %select_n3A_236 = arith.select %and3A_234, %add3A_235, %rem3A_226 : i32
    %dma_start3A_237 = arith.constant 1 : i32
    %dma_start3A_238 = arith.constant 0 : i32
    %dma_start3A_239 = arith.constant 0 : i32
    %dma_start3A_240 = tpu.memref_slice %arg4[%dma_start3A_237, %dma_start3A_238, %dma_start3A_239] : memref<2x64x1024xf32, #tpu.memory_space<vmem>> -> memref<1x64x1024xf32, #tpu.memory_space<vmem>>
    %dma_start3A_241 = tpu.memref_squeeze %dma_start3A_240 : memref<1x64x1024xf32, #tpu.memory_space<vmem>> -> memref<64x1024xf32, #tpu.memory_space<vmem>>
    %dma_start3A_242 = arith.constant 0 : i32
    %dma_start3A_243 = tpu.memref_slice %arg3[%select_n3A_236, %add3A_185, %dma_start3A_242] : memref<4x4096x1024xf32, #tpu.memory_space<hbm>> -> memref<1x64x1024xf32, #tpu.memory_space<hbm>>
    %dma_start3A_244 = tpu.memref_squeeze %dma_start3A_243 : memref<1x64x1024xf32, #tpu.memory_space<hbm>> -> memref<64x1024xf32, #tpu.memory_space<hbm>>
    %dma_start3A_245 = arith.constant 0 : i32
    %dma_start3A_246 = tpu.memref_slice %arg3[%select_n3A_236, %add3A_185, %dma_start3A_245] : memref<4x4096x1024xf32, #tpu.memory_space<hbm>> -> memref<1x64x1024xf32, #tpu.memory_space<hbm>>
    %dma_start3A_247 = tpu.memref_squeeze %dma_start3A_246 : memref<1x64x1024xf32, #tpu.memory_space<hbm>> -> memref<64x1024xf32, #tpu.memory_space<hbm>>
    %dma_start3A_248 = arith.constant 0 : i32
    %dma_start3A_249 = arith.constant 0 : i32
    %dma_start3A_250 = tpu.memref_slice %arg4[%dma_start3A_237, %dma_start3A_248, %dma_start3A_249] : memref<2x64x1024xf32, #tpu.memory_space<vmem>> -> memref<1x64x1024xf32, #tpu.memory_space<vmem>>
    %dma_start3A_251 = tpu.memref_squeeze %dma_start3A_250 : memref<1x64x1024xf32, #tpu.memory_space<vmem>> -> memref<64x1024xf32, #tpu.memory_space<vmem>>
    tpu.enqueue_dma source(%dma_start3A_251 : memref<64x1024xf32, #tpu.memory_space<vmem>>) target(%dma_start3A_247 : memref<64x1024xf32, #tpu.memory_space<hbm>>) target_semaphore(%arg6 : memref<!tpu.dma_semaphore, #tpu.memory_space<semaphore_mem>>)
    %add3A_252 = arith.constant 2 : i32
    %add3A_253 = arith.addi %add3A, %add3A_252 : i32
    %jit3A_254 = arith.constant 4 : i32
    %eq3A_255 = arith.constant 0 : i32
    %eq3A_256 = arith.cmpi eq, %jit3A_254, %eq3A_255 : i32
    %jit3A_257 = arith.constant 1 : i32
    %select_n3A_258 = arith.select %eq3A_256, %jit3A_257, %jit3A_254 : i32
    %rem3A_259 = arith.remsi %add3A_253, %select_n3A_258 : i32
    %ne3A_260 = arith.constant 0 : i32
    %ne3A_261 = arith.cmpi ne, %rem3A_259, %ne3A_260 : i32
    %lt3A_262 = arith.constant 0 : i32
    %lt3A_263 = arith.cmpi slt, %rem3A_259, %lt3A_262 : i32
    %lt3A_264 = arith.constant 0 : i32
    %lt3A_265 = arith.cmpi slt, %select_n3A_258, %lt3A_264 : i32
    %ne3A_266 = arith.xori %lt3A_263, %lt3A_265 : i1
    %and3A_267 = arith.andi %ne3A_266, %ne3A_261 : i1
    %add3A_268 = arith.addi %rem3A_259, %select_n3A_258 : i32
    %select_n3A_269 = arith.select %and3A_267, %add3A_268, %rem3A_259 : i32
    %dma_start3A_270 = arith.constant 1 : i32
    %dma_start3A_271 = arith.constant 0 : i32
    %dma_start3A_272 = arith.constant 0 : i32
    %dma_start3A_273 = tpu.memref_slice %arg4[%dma_start3A_270, %dma_start3A_271, %dma_start3A_272] : memref<2x64x1024xf32, #tpu.memory_space<vmem>> -> memref<1x64x1024xf32, #tpu.memory_space<vmem>>
    %dma_start3A_274 = tpu.memref_squeeze %dma_start3A_273 : memref<1x64x1024xf32, #tpu.memory_space<vmem>> -> memref<64x1024xf32, #tpu.memory_space<vmem>>
    %dma_start3A_275 = arith.constant 0 : i32
    %dma_start3A_276 = tpu.memref_slice %arg3[%select_n3A_269, %add3A_185, %dma_start3A_275] : memref<4x4096x1024xf32, #tpu.memory_space<hbm>> -> memref<1x64x1024xf32, #tpu.memory_space<hbm>>
    %dma_start3A_277 = tpu.memref_squeeze %dma_start3A_276 : memref<1x64x1024xf32, #tpu.memory_space<hbm>> -> memref<64x1024xf32, #tpu.memory_space<hbm>>
    %dma_start3A_278 = arith.constant 0 : i32
    %dma_start3A_279 = tpu.memref_slice %arg3[%select_n3A_269, %add3A_185, %dma_start3A_278] : memref<4x4096x1024xf32, #tpu.memory_space<hbm>> -> memref<1x64x1024xf32, #tpu.memory_space<hbm>>
    %dma_start3A_280 = tpu.memref_squeeze %dma_start3A_279 : memref<1x64x1024xf32, #tpu.memory_space<hbm>> -> memref<64x1024xf32, #tpu.memory_space<hbm>>
    %dma_start3A_281 = arith.constant 0 : i32
    %dma_start3A_282 = arith.constant 0 : i32
    %dma_start3A_283 = tpu.memref_slice %arg4[%dma_start3A_270, %dma_start3A_281, %dma_start3A_282] : memref<2x64x1024xf32, #tpu.memory_space<vmem>> -> memref<1x64x1024xf32, #tpu.memory_space<vmem>>
    %dma_start3A_284 = tpu.memref_squeeze %dma_start3A_283 : memref<1x64x1024xf32, #tpu.memory_space<vmem>> -> memref<64x1024xf32, #tpu.memory_space<vmem>>
    tpu.enqueue_dma source(%dma_start3A_284 : memref<64x1024xf32, #tpu.memory_space<vmem>>) target(%dma_start3A_280 : memref<64x1024xf32, #tpu.memory_space<hbm>>) target_semaphore(%arg6 : memref<!tpu.dma_semaphore, #tpu.memory_space<semaphore_mem>>)
    %add3A_285 = arith.constant 3 : i32
    %add3A_286 = arith.addi %add3A, %add3A_285 : i32
    %jit3A_287 = arith.constant 4 : i32
    %eq3A_288 = arith.constant 0 : i32
    %eq3A_289 = arith.cmpi eq, %jit3A_287, %eq3A_288 : i32
    %jit3A_290 = arith.constant 1 : i32
    %select_n3A_291 = arith.select %eq3A_289, %jit3A_290, %jit3A_287 : i32
    %rem3A_292 = arith.remsi %add3A_286, %select_n3A_291 : i32
    %ne3A_293 = arith.constant 0 : i32
    %ne3A_294 = arith.cmpi ne, %rem3A_292, %ne3A_293 : i32
    %lt3A_295 = arith.constant 0 : i32
    %lt3A_296 = arith.cmpi slt, %rem3A_292, %lt3A_295 : i32
    %lt3A_297 = arith.constant 0 : i32
    %lt3A_298 = arith.cmpi slt, %select_n3A_291, %lt3A_297 : i32
    %ne3A_299 = arith.xori %lt3A_296, %lt3A_298 : i1
    %and3A_300 = arith.andi %ne3A_299, %ne3A_294 : i1
    %add3A_301 = arith.addi %rem3A_292, %select_n3A_291 : i32
    %select_n3A_302 = arith.select %and3A_300, %add3A_301, %rem3A_292 : i32
    %dma_start3A_303 = arith.constant 1 : i32
    %dma_start3A_304 = arith.constant 0 : i32
    %dma_start3A_305 = arith.constant 0 : i32
    %dma_start3A_306 = tpu.memref_slice %arg4[%dma_start3A_303, %dma_start3A_304, %dma_start3A_305] : memref<2x64x1024xf32, #tpu.memory_space<vmem>> -> memref<1x64x1024xf32, #tpu.memory_space<vmem>>
    %dma_start3A_307 = tpu.memref_squeeze %dma_start3A_306 : memref<1x64x1024xf32, #tpu.memory_space<vmem>> -> memref<64x1024xf32, #tpu.memory_space<vmem>>
    %dma_start3A_308 = arith.constant 0 : i32
    %dma_start3A_309 = tpu.memref_slice %arg3[%select_n3A_302, %add3A_185, %dma_start3A_308] : memref<4x4096x1024xf32, #tpu.memory_space<hbm>> -> memref<1x64x1024xf32, #tpu.memory_space<hbm>>
    %dma_start3A_310 = tpu.memref_squeeze %dma_start3A_309 : memref<1x64x1024xf32, #tpu.memory_space<hbm>> -> memref<64x1024xf32, #tpu.memory_space<hbm>>
    %dma_start3A_311 = arith.constant 0 : i32
    %dma_start3A_312 = tpu.memref_slice %arg3[%select_n3A_302, %add3A_185, %dma_start3A_311] : memref<4x4096x1024xf32, #tpu.memory_space<hbm>> -> memref<1x64x1024xf32, #tpu.memory_space<hbm>>
    %dma_start3A_313 = tpu.memref_squeeze %dma_start3A_312 : memref<1x64x1024xf32, #tpu.memory_space<hbm>> -> memref<64x1024xf32, #tpu.memory_space<hbm>>
    %dma_start3A_314 = arith.constant 0 : i32
    %dma_start3A_315 = arith.constant 0 : i32
    %dma_start3A_316 = tpu.memref_slice %arg4[%dma_start3A_303, %dma_start3A_314, %dma_start3A_315] : memref<2x64x1024xf32, #tpu.memory_space<vmem>> -> memref<1x64x1024xf32, #tpu.memory_space<vmem>>
    %dma_start3A_317 = tpu.memref_squeeze %dma_start3A_316 : memref<1x64x1024xf32, #tpu.memory_space<vmem>> -> memref<64x1024xf32, #tpu.memory_space<vmem>>
    tpu.enqueue_dma source(%dma_start3A_317 : memref<64x1024xf32, #tpu.memory_space<vmem>>) target(%dma_start3A_313 : memref<64x1024xf32, #tpu.memory_space<hbm>>) target_semaphore(%arg6 : memref<!tpu.dma_semaphore, #tpu.memory_space<semaphore_mem>>)
    %dma_wait3A_318 = arith.constant 0 : i32
    %dma_wait3A_319 = arith.constant 0 : i32
    %dma_wait3A_320 = arith.constant 0 : i32
    %dma_wait3A_321 = tpu.memref_slice %arg4[%dma_wait3A_318, %dma_wait3A_319, %dma_wait3A_320] : memref<2x64x1024xf32, #tpu.memory_space<vmem>> -> memref<1x64x1024xf32, #tpu.memory_space<vmem>>
    %dma_wait3A_322 = tpu.memref_squeeze %dma_wait3A_321 : memref<1x64x1024xf32, #tpu.memory_space<vmem>> -> memref<64x1024xf32, #tpu.memory_space<vmem>>
    %dma_wait3A_323 = arith.constant 0 : i32
    %dma_wait3A_324 = tpu.memref_slice %arg3[%select_n3A_56, %add3A_45, %dma_wait3A_323] : memref<4x4096x1024xf32, #tpu.memory_space<hbm>> -> memref<1x64x1024xf32, #tpu.memory_space<hbm>>
    %dma_wait3A_325 = tpu.memref_squeeze %dma_wait3A_324 : memref<1x64x1024xf32, #tpu.memory_space<hbm>> -> memref<64x1024xf32, #tpu.memory_space<hbm>>
    %dma_wait3A_326 = arith.constant 0 : i32
    %dma_wait3A_327 = tpu.memref_slice %arg3[%select_n3A_56, %add3A_45, %dma_wait3A_326] : memref<4x4096x1024xf32, #tpu.memory_space<hbm>> -> memref<1x64x1024xf32, #tpu.memory_space<hbm>>
    %dma_wait3A_328 = tpu.memref_squeeze %dma_wait3A_327 : memref<1x64x1024xf32, #tpu.memory_space<hbm>> -> memref<64x1024xf32, #tpu.memory_space<hbm>>
    %dma_wait3A_329 = arith.constant 0 : i32
    %dma_wait3A_330 = arith.constant 0 : i32
    %dma_wait3A_331 = tpu.memref_slice %arg4[%dma_wait3A_318, %dma_wait3A_329, %dma_wait3A_330] : memref<2x64x1024xf32, #tpu.memory_space<vmem>> -> memref<1x64x1024xf32, #tpu.memory_space<vmem>>
    %dma_wait3A_332 = tpu.memref_squeeze %dma_wait3A_331 : memref<1x64x1024xf32, #tpu.memory_space<vmem>> -> memref<64x1024xf32, #tpu.memory_space<vmem>>
    tpu.wait_dma2 semaphore(%arg6 : memref<!tpu.dma_semaphore, #tpu.memory_space<semaphore_mem>>) src(%dma_wait3A_332 : memref<64x1024xf32, #tpu.memory_space<vmem>>) dst(%dma_wait3A_328 : memref<64x1024xf32, #tpu.memory_space<hbm>>)
    %dma_wait3A_333 = arith.constant 0 : i32
    %dma_wait3A_334 = arith.constant 0 : i32
    %dma_wait3A_335 = arith.constant 0 : i32
    %dma_wait3A_336 = tpu.memref_slice %arg4[%dma_wait3A_333, %dma_wait3A_334, %dma_wait3A_335] : memref<2x64x1024xf32, #tpu.memory_space<vmem>> -> memref<1x64x1024xf32, #tpu.memory_space<vmem>>
    %dma_wait3A_337 = tpu.memref_squeeze %dma_wait3A_336 : memref<1x64x1024xf32, #tpu.memory_space<vmem>> -> memref<64x1024xf32, #tpu.memory_space<vmem>>
    %dma_wait3A_338 = arith.constant 0 : i32
    %dma_wait3A_339 = tpu.memref_slice %arg3[%select_n3A_89, %add3A_45, %dma_wait3A_338] : memref<4x4096x1024xf32, #tpu.memory_space<hbm>> -> memref<1x64x1024xf32, #tpu.memory_space<hbm>>
    %dma_wait3A_340 = tpu.memref_squeeze %dma_wait3A_339 : memref<1x64x1024xf32, #tpu.memory_space<hbm>> -> memref<64x1024xf32, #tpu.memory_space<hbm>>
    %dma_wait3A_341 = arith.constant 0 : i32
    %dma_wait3A_342 = tpu.memref_slice %arg3[%select_n3A_89, %add3A_45, %dma_wait3A_341] : memref<4x4096x1024xf32, #tpu.memory_space<hbm>> -> memref<1x64x1024xf32, #tpu.memory_space<hbm>>
    %dma_wait3A_343 = tpu.memref_squeeze %dma_wait3A_342 : memref<1x64x1024xf32, #tpu.memory_space<hbm>> -> memref<64x1024xf32, #tpu.memory_space<hbm>>
    %dma_wait3A_344 = arith.constant 0 : i32
    %dma_wait3A_345 = arith.constant 0 : i32
    %dma_wait3A_346 = tpu.memref_slice %arg4[%dma_wait3A_333, %dma_wait3A_344, %dma_wait3A_345] : memref<2x64x1024xf32, #tpu.memory_space<vmem>> -> memref<1x64x1024xf32, #tpu.memory_space<vmem>>
    %dma_wait3A_347 = tpu.memref_squeeze %dma_wait3A_346 : memref<1x64x1024xf32, #tpu.memory_space<vmem>> -> memref<64x1024xf32, #tpu.memory_space<vmem>>
    tpu.wait_dma2 semaphore(%arg6 : memref<!tpu.dma_semaphore, #tpu.memory_space<semaphore_mem>>) src(%dma_wait3A_347 : memref<64x1024xf32, #tpu.memory_space<vmem>>) dst(%dma_wait3A_343 : memref<64x1024xf32, #tpu.memory_space<hbm>>)
    %dma_wait3A_348 = arith.constant 0 : i32
    %dma_wait3A_349 = arith.constant 0 : i32
    %dma_wait3A_350 = arith.constant 0 : i32
    %dma_wait3A_351 = tpu.memref_slice %arg4[%dma_wait3A_348, %dma_wait3A_349, %dma_wait3A_350] : memref<2x64x1024xf32, #tpu.memory_space<vmem>> -> memref<1x64x1024xf32, #tpu.memory_space<vmem>>
    %dma_wait3A_352 = tpu.memref_squeeze %dma_wait3A_351 : memref<1x64x1024xf32, #tpu.memory_space<vmem>> -> memref<64x1024xf32, #tpu.memory_space<vmem>>
    %dma_wait3A_353 = arith.constant 0 : i32
    %dma_wait3A_354 = tpu.memref_slice %arg3[%select_n3A_122, %add3A_45, %dma_wait3A_353] : memref<4x4096x1024xf32, #tpu.memory_space<hbm>> -> memref<1x64x1024xf32, #tpu.memory_space<hbm>>
    %dma_wait3A_355 = tpu.memref_squeeze %dma_wait3A_354 : memref<1x64x1024xf32, #tpu.memory_space<hbm>> -> memref<64x1024xf32, #tpu.memory_space<hbm>>
    %dma_wait3A_356 = arith.constant 0 : i32
    %dma_wait3A_357 = tpu.memref_slice %arg3[%select_n3A_122, %add3A_45, %dma_wait3A_356] : memref<4x4096x1024xf32, #tpu.memory_space<hbm>> -> memref<1x64x1024xf32, #tpu.memory_space<hbm>>
    %dma_wait3A_358 = tpu.memref_squeeze %dma_wait3A_357 : memref<1x64x1024xf32, #tpu.memory_space<hbm>> -> memref<64x1024xf32, #tpu.memory_space<hbm>>
    %dma_wait3A_359 = arith.constant 0 : i32
    %dma_wait3A_360 = arith.constant 0 : i32
    %dma_wait3A_361 = tpu.memref_slice %arg4[%dma_wait3A_348, %dma_wait3A_359, %dma_wait3A_360] : memref<2x64x1024xf32, #tpu.memory_space<vmem>> -> memref<1x64x1024xf32, #tpu.memory_space<vmem>>
    %dma_wait3A_362 = tpu.memref_squeeze %dma_wait3A_361 : memref<1x64x1024xf32, #tpu.memory_space<vmem>> -> memref<64x1024xf32, #tpu.memory_space<vmem>>
    tpu.wait_dma2 semaphore(%arg6 : memref<!tpu.dma_semaphore, #tpu.memory_space<semaphore_mem>>) src(%dma_wait3A_362 : memref<64x1024xf32, #tpu.memory_space<vmem>>) dst(%dma_wait3A_358 : memref<64x1024xf32, #tpu.memory_space<hbm>>)
    %dma_wait3A_363 = arith.constant 0 : i32
    %dma_wait3A_364 = arith.constant 0 : i32
    %dma_wait3A_365 = arith.constant 0 : i32
    %dma_wait3A_366 = tpu.memref_slice %arg4[%dma_wait3A_363, %dma_wait3A_364, %dma_wait3A_365] : memref<2x64x1024xf32, #tpu.memory_space<vmem>> -> memref<1x64x1024xf32, #tpu.memory_space<vmem>>
    %dma_wait3A_367 = tpu.memref_squeeze %dma_wait3A_366 : memref<1x64x1024xf32, #tpu.memory_space<vmem>> -> memref<64x1024xf32, #tpu.memory_space<vmem>>
    %dma_wait3A_368 = arith.constant 0 : i32
    %dma_wait3A_369 = tpu.memref_slice %arg3[%select_n3A_155, %add3A_45, %dma_wait3A_368] : memref<4x4096x1024xf32, #tpu.memory_space<hbm>> -> memref<1x64x1024xf32, #tpu.memory_space<hbm>>
    %dma_wait3A_370 = tpu.memref_squeeze %dma_wait3A_369 : memref<1x64x1024xf32, #tpu.memory_space<hbm>> -> memref<64x1024xf32, #tpu.memory_space<hbm>>
    %dma_wait3A_371 = arith.constant 0 : i32
    %dma_wait3A_372 = tpu.memref_slice %arg3[%select_n3A_155, %add3A_45, %dma_wait3A_371] : memref<4x4096x1024xf32, #tpu.memory_space<hbm>> -> memref<1x64x1024xf32, #tpu.memory_space<hbm>>
    %dma_wait3A_373 = tpu.memref_squeeze %dma_wait3A_372 : memref<1x64x1024xf32, #tpu.memory_space<hbm>> -> memref<64x1024xf32, #tpu.memory_space<hbm>>
    %dma_wait3A_374 = arith.constant 0 : i32
    %dma_wait3A_375 = arith.constant 0 : i32
    %dma_wait3A_376 = tpu.memref_slice %arg4[%dma_wait3A_363, %dma_wait3A_374, %dma_wait3A_375] : memref<2x64x1024xf32, #tpu.memory_space<vmem>> -> memref<1x64x1024xf32, #tpu.memory_space<vmem>>
    %dma_wait3A_377 = tpu.memref_squeeze %dma_wait3A_376 : memref<1x64x1024xf32, #tpu.memory_space<vmem>> -> memref<64x1024xf32, #tpu.memory_space<vmem>>
    tpu.wait_dma2 semaphore(%arg6 : memref<!tpu.dma_semaphore, #tpu.memory_space<semaphore_mem>>) src(%dma_wait3A_377 : memref<64x1024xf32, #tpu.memory_space<vmem>>) dst(%dma_wait3A_373 : memref<64x1024xf32, #tpu.memory_space<hbm>>)
    %dma_wait3A_378 = arith.constant 1 : i32
    %dma_wait3A_379 = arith.constant 0 : i32
    %dma_wait3A_380 = arith.constant 0 : i32
    %dma_wait3A_381 = tpu.memref_slice %arg4[%dma_wait3A_378, %dma_wait3A_379, %dma_wait3A_380] : memref<2x64x1024xf32, #tpu.memory_space<vmem>> -> memref<1x64x1024xf32, #tpu.memory_space<vmem>>
    %dma_wait3A_382 = tpu.memref_squeeze %dma_wait3A_381 : memref<1x64x1024xf32, #tpu.memory_space<vmem>> -> memref<64x1024xf32, #tpu.memory_space<vmem>>
    %dma_wait3A_383 = arith.constant 0 : i32
    %dma_wait3A_384 = tpu.memref_slice %arg3[%select_n3A_203, %add3A_185, %dma_wait3A_383] : memref<4x4096x1024xf32, #tpu.memory_space<hbm>> -> memref<1x64x1024xf32, #tpu.memory_space<hbm>>
    %dma_wait3A_385 = tpu.memref_squeeze %dma_wait3A_384 : memref<1x64x1024xf32, #tpu.memory_space<hbm>> -> memref<64x1024xf32, #tpu.memory_space<hbm>>
    %dma_wait3A_386 = arith.constant 0 : i32
    %dma_wait3A_387 = tpu.memref_slice %arg3[%select_n3A_203, %add3A_185, %dma_wait3A_386] : memref<4x4096x1024xf32, #tpu.memory_space<hbm>> -> memref<1x64x1024xf32, #tpu.memory_space<hbm>>
    %dma_wait3A_388 = tpu.memref_squeeze %dma_wait3A_387 : memref<1x64x1024xf32, #tpu.memory_space<hbm>> -> memref<64x1024xf32, #tpu.memory_space<hbm>>
    %dma_wait3A_389 = arith.constant 0 : i32
    %dma_wait3A_390 = arith.constant 0 : i32
    %dma_wait3A_391 = tpu.memref_slice %arg4[%dma_wait3A_378, %dma_wait3A_389, %dma_wait3A_390] : memref<2x64x1024xf32, #tpu.memory_space<vmem>> -> memref<1x64x1024xf32, #tpu.memory_space<vmem>>
    %dma_wait3A_392 = tpu.memref_squeeze %dma_wait3A_391 : memref<1x64x1024xf32, #tpu.memory_space<vmem>> -> memref<64x1024xf32, #tpu.memory_space<vmem>>
    tpu.wait_dma2 semaphore(%arg6 : memref<!tpu.dma_semaphore, #tpu.memory_space<semaphore_mem>>) src(%dma_wait3A_392 : memref<64x1024xf32, #tpu.memory_space<vmem>>) dst(%dma_wait3A_388 : memref<64x1024xf32, #tpu.memory_space<hbm>>)
    %dma_wait3A_393 = arith.constant 1 : i32
    %dma_wait3A_394 = arith.constant 0 : i32
    %dma_wait3A_395 = arith.constant 0 : i32
    %dma_wait3A_396 = tpu.memref_slice %arg4[%dma_wait3A_393, %dma_wait3A_394, %dma_wait3A_395] : memref<2x64x1024xf32, #tpu.memory_space<vmem>> -> memref<1x64x1024xf32, #tpu.memory_space<vmem>>
    %dma_wait3A_397 = tpu.memref_squeeze %dma_wait3A_396 : memref<1x64x1024xf32, #tpu.memory_space<vmem>> -> memref<64x1024xf32, #tpu.memory_space<vmem>>
    %dma_wait3A_398 = arith.constant 0 : i32
    %dma_wait3A_399 = tpu.memref_slice %arg3[%select_n3A_236, %add3A_185, %dma_wait3A_398] : memref<4x4096x1024xf32, #tpu.memory_space<hbm>> -> memref<1x64x1024xf32, #tpu.memory_space<hbm>>
    %dma_wait3A_400 = tpu.memref_squeeze %dma_wait3A_399 : memref<1x64x1024xf32, #tpu.memory_space<hbm>> -> memref<64x1024xf32, #tpu.memory_space<hbm>>
    %dma_wait3A_401 = arith.constant 0 : i32
    %dma_wait3A_402 = tpu.memref_slice %arg3[%select_n3A_236, %add3A_185, %dma_wait3A_401] : memref<4x4096x1024xf32, #tpu.memory_space<hbm>> -> memref<1x64x1024xf32, #tpu.memory_space<hbm>>
    %dma_wait3A_403 = tpu.memref_squeeze %dma_wait3A_402 : memref<1x64x1024xf32, #tpu.memory_space<hbm>> -> memref<64x1024xf32, #tpu.memory_space<hbm>>
    %dma_wait3A_404 = arith.constant 0 : i32
    %dma_wait3A_405 = arith.constant 0 : i32
    %dma_wait3A_406 = tpu.memref_slice %arg4[%dma_wait3A_393, %dma_wait3A_404, %dma_wait3A_405] : memref<2x64x1024xf32, #tpu.memory_space<vmem>> -> memref<1x64x1024xf32, #tpu.memory_space<vmem>>
    %dma_wait3A_407 = tpu.memref_squeeze %dma_wait3A_406 : memref<1x64x1024xf32, #tpu.memory_space<vmem>> -> memref<64x1024xf32, #tpu.memory_space<vmem>>
    tpu.wait_dma2 semaphore(%arg6 : memref<!tpu.dma_semaphore, #tpu.memory_space<semaphore_mem>>) src(%dma_wait3A_407 : memref<64x1024xf32, #tpu.memory_space<vmem>>) dst(%dma_wait3A_403 : memref<64x1024xf32, #tpu.memory_space<hbm>>)
    %dma_wait3A_408 = arith.constant 1 : i32
    %dma_wait3A_409 = arith.constant 0 : i32
    %dma_wait3A_410 = arith.constant 0 : i32
    %dma_wait3A_411 = tpu.memref_slice %arg4[%dma_wait3A_408, %dma_wait3A_409, %dma_wait3A_410] : memref<2x64x1024xf32, #tpu.memory_space<vmem>> -> memref<1x64x1024xf32, #tpu.memory_space<vmem>>
    %dma_wait3A_412 = tpu.memref_squeeze %dma_wait3A_411 : memref<1x64x1024xf32, #tpu.memory_space<vmem>> -> memref<64x1024xf32, #tpu.memory_space<vmem>>
    %dma_wait3A_413 = arith.constant 0 : i32
    %dma_wait3A_414 = tpu.memref_slice %arg3[%select_n3A_269, %add3A_185, %dma_wait3A_413] : memref<4x4096x1024xf32, #tpu.memory_space<hbm>> -> memref<1x64x1024xf32, #tpu.memory_space<hbm>>
    %dma_wait3A_415 = tpu.memref_squeeze %dma_wait3A_414 : memref<1x64x1024xf32, #tpu.memory_space<hbm>> -> memref<64x1024xf32, #tpu.memory_space<hbm>>
    %dma_wait3A_416 = arith.constant 0 : i32
    %dma_wait3A_417 = tpu.memref_slice %arg3[%select_n3A_269, %add3A_185, %dma_wait3A_416] : memref<4x4096x1024xf32, #tpu.memory_space<hbm>> -> memref<1x64x1024xf32, #tpu.memory_space<hbm>>
    %dma_wait3A_418 = tpu.memref_squeeze %dma_wait3A_417 : memref<1x64x1024xf32, #tpu.memory_space<hbm>> -> memref<64x1024xf32, #tpu.memory_space<hbm>>
    %dma_wait3A_419 = arith.constant 0 : i32
    %dma_wait3A_420 = arith.constant 0 : i32
    %dma_wait3A_421 = tpu.memref_slice %arg4[%dma_wait3A_408, %dma_wait3A_419, %dma_wait3A_420] : memref<2x64x1024xf32, #tpu.memory_space<vmem>> -> memref<1x64x1024xf32, #tpu.memory_space<vmem>>
    %dma_wait3A_422 = tpu.memref_squeeze %dma_wait3A_421 : memref<1x64x1024xf32, #tpu.memory_space<vmem>> -> memref<64x1024xf32, #tpu.memory_space<vmem>>
    tpu.wait_dma2 semaphore(%arg6 : memref<!tpu.dma_semaphore, #tpu.memory_space<semaphore_mem>>) src(%dma_wait3A_422 : memref<64x1024xf32, #tpu.memory_space<vmem>>) dst(%dma_wait3A_418 : memref<64x1024xf32, #tpu.memory_space<hbm>>)
    %dma_wait3A_423 = arith.constant 1 : i32
    %dma_wait3A_424 = arith.constant 0 : i32
    %dma_wait3A_425 = arith.constant 0 : i32
    %dma_wait3A_426 = tpu.memref_slice %arg4[%dma_wait3A_423, %dma_wait3A_424, %dma_wait3A_425] : memref<2x64x1024xf32, #tpu.memory_space<vmem>> -> memref<1x64x1024xf32, #tpu.memory_space<vmem>>
    %dma_wait3A_427 = tpu.memref_squeeze %dma_wait3A_426 : memref<1x64x1024xf32, #tpu.memory_space<vmem>> -> memref<64x1024xf32, #tpu.memory_space<vmem>>
    %dma_wait3A_428 = arith.constant 0 : i32
    %dma_wait3A_429 = tpu.memref_slice %arg3[%select_n3A_302, %add3A_185, %dma_wait3A_428] : memref<4x4096x1024xf32, #tpu.memory_space<hbm>> -> memref<1x64x1024xf32, #tpu.memory_space<hbm>>
    %dma_wait3A_430 = tpu.memref_squeeze %dma_wait3A_429 : memref<1x64x1024xf32, #tpu.memory_space<hbm>> -> memref<64x1024xf32, #tpu.memory_space<hbm>>
    %dma_wait3A_431 = arith.constant 0 : i32
    %dma_wait3A_432 = tpu.memref_slice %arg3[%select_n3A_302, %add3A_185, %dma_wait3A_431] : memref<4x4096x1024xf32, #tpu.memory_space<hbm>> -> memref<1x64x1024xf32, #tpu.memory_space<hbm>>
    %dma_wait3A_433 = tpu.memref_squeeze %dma_wait3A_432 : memref<1x64x1024xf32, #tpu.memory_space<hbm>> -> memref<64x1024xf32, #tpu.memory_space<hbm>>
    %dma_wait3A_434 = arith.constant 0 : i32
    %dma_wait3A_435 = arith.constant 0 : i32
    %dma_wait3A_436 = tpu.memref_slice %arg4[%dma_wait3A_423, %dma_wait3A_434, %dma_wait3A_435] : memref<2x64x1024xf32, #tpu.memory_space<vmem>> -> memref<1x64x1024xf32, #tpu.memory_space<vmem>>
    %dma_wait3A_437 = tpu.memref_squeeze %dma_wait3A_436 : memref<1x64x1024xf32, #tpu.memory_space<vmem>> -> memref<64x1024xf32, #tpu.memory_space<vmem>>
    tpu.wait_dma2 semaphore(%arg6 : memref<!tpu.dma_semaphore, #tpu.memory_space<semaphore_mem>>) src(%dma_wait3A_437 : memref<64x1024xf32, #tpu.memory_space<vmem>>) dst(%dma_wait3A_433 : memref<64x1024xf32, #tpu.memory_space<hbm>>)
    return
  }
}

</mosaic_0001>

<sc_bundles>
// kernel: kernel.3.cloned.1.call-start
scs
__scs_entry_jumppad:
0x0: {  	(pc) =	sbr.rel $0x88, $3  }
0x1: {  	(tag) =	ssettag $0x0;
	lr =	simm.s32 $0x1  }
0x2: {  	[smem:$0x3FA0] =	sst lr;
	_ =	strace $0xD0000000  }
0x3: {  	_ = 	snop  }
0x4: {  	_ = 	snop  }
0x5: {  	_ = 	snop  }
0x6: {  	_ = 	snop  }
0x7: {  	_ = 	snop  }
__scs_overlays_trampoline_lowered:
0x8: {  	[smem:$0x3FAF] =	sst s0  }
0x9: {  	[smem:$0x3FB0] =	sst s1  }
0xa: {  	[smem:$0x3FB1] =	sst s2  }
0xb: {  	[smem:$0x3FB2] =	sst s3  }
0xc: {  	[smem:$0x3FB3] =	sst s4  }
0xd: {  	[smem:$0x3FB4] =	sst s5  }
0xe: {  	[smem:$0x3FB5] =	sst s6  }
0xf: {  	[smem:$0x3FB6] =	sst s7  }
0x10: {  	[smem:$0x3FB7] =	sst s8  }
0x11: {  	[smem:$0x3FB8] =	sst s9;
	s0 =	simm.s32 @!p0 $0x0  }
0x12: {  	s1 =	sld [smem:$0x3F9E];
	s0 =	simm.s32 @p0 $0x1  }
0x13: {  	[smem:$0x3FB9] =	sst s0;
	s0 =	simm.s32 @!p1 $0x0  }
0x14: {  	s2 =	sld [smem:$0x3F9D];
	s0 =	simm.s32 @p1 $0x1  }
0x15: {  	[smem:$0x3FBA] =	sst s0;
	s0 =	simm.s32 @!p2 $0x0  }
0x16: {  	s3 =	sld [smem:$0x3FDB];
	s0 =	simm.s32 @p2 $0x1  }
0x17: {  	s4 =	simm.s32 $0x1BF5;
	[smem:$0x3FBC] =	sst s0  }
0x18: {  	s0 =	sld [smem:$0x3F9F];
	_ =	swait.ge [sflag:s4], $0x0  }
0x19: {  	s7 =	sld [smem:$0x3FA0]  }
0x1a: {  	s8 =	sadd.s32 $0xFFFFE003, lr  }
0x1b: {  	s9 =	sadd.s32 $0xFFFFFEF7, lr;
	s5 =	simm.s32 $0xFFFFFFFF;
	p2 =	slt.u32 s8, $0xFFFFF086  }
0x1c: {  	p1 =	slt.u32 s9, $0xF7A;
	s5 =	simm.s32 @!p2 $0x0  }
0x1d: {  	s5 =	simm.s32 @p1 $0x1;
	p0 =	seq.s32 s7, s2  }
0x1e: {  	s7 =	smul.u32 @!p0 $0xF7A, s2;
	p2 =	seq.s32 @!p0 s5, $0x0  }
0x1f: {  	s9 =	smul.u32 $0xF7A, s1;
	s8 =	simm.s32 @!p0 $0x1BF5;
	p2 =	por !p2, p0  }
0x20: {  	[sflag:s8] =	ssyncset.s32 @!p0 $0xFFFFF086;
	s6 =	sadd.s32 @!p0 s3, s7;
	s7 =	simm.s32 @!p0 $0x108  }
0x21: {  	s3 =	sadd.s32 s3, s9;
	s6 =	sadd.s32 @!p0 $0x88, s6;
	s7 =	simm.s32 @p2 $0x1082  }
0x22: {  	[simem:s7], [sflag:s8] =	dma.local @!p0 [hbm:s6], $0xF7A  }
0x23: {  	s9 =	sor.u32 $0xD0000000, s2;
	s6 =	simm.s32 $0x108;
	_ =	swait.ge @!p0 [sflag:s8], $0x0  }
0x24: {  	s3 =	sadd.s32 $0x88, s3;
	s6 =	simm.s32 @!p1 $0x1082;
	[sflag:s4] =	ssyncset.s32 $0xFFFFF086  }
0x25: {  	[simem:s6], [sflag:s4] =	dma.local [hbm:s3], $0xF7A  }
0x26: {  	[smem:$0x3FA0] =	sst s1;
	(tag) =	ssettag s2;
	_ =	strace s9  }
0x27: {  	s1 =	sld [smem:$0x3FB0]  }
0x28: {  	s2 =	sld [smem:$0x3FB1]  }
0x29: {  	s4 =	sld [smem:$0x3FB3]  }
0x2a: {  	p0 =	seq.s32 s5, $0x0;
	s5 =	sld [smem:$0x3FB4]  }
0x2b: {  	s6 =	sld [smem:$0x3FB5]  }
0x2c: {  	s7 =	sld [smem:$0x3FB6]  }
0x2d: {  	s3 =	simm.s32 $0x108;
	s8 =	sld [smem:$0x3FB7]  }
0x2e: {  	s3 =	simm.s32 @!p0 $0x1082;
	s9 =	sld [smem:$0x3FB8]  }
0x2f: {  	lr =	sadd.s32 s0, s3;
	s0 =	sld [smem:$0x3FAF]  }
0x30: {  	s3 =	sld [smem:$0x3FB2]  }
0x31: {  	[smem:$0x3FBB] =	sst s10  }
0x32: {  	s10 =	sld [smem:$0x3FB9];
	_ =	sdelay $0x3  }
0x33: {  	p0 =	seq.s32 s10, $0x1;
	s10 =	sld [smem:$0x3FBB];
	_ =	sdelay $0x3  }
0x34: {  	[smem:$0x3FBB] =	sst s10  }
0x35: {  	s10 =	sld [smem:$0x3FBA];
	_ =	sdelay $0x3  }
0x36: {  	p1 =	seq.s32 s10, $0x1;
	s10 =	sld [smem:$0x3FBB];
	_ =	sdelay $0x3  }
0x37: {  	[smem:$0x3FBB] =	sst s10  }
0x38: {  	s10 =	sld [smem:$0x3FBC]  }
0x39: {  	_ = 	snop;
	(pc) =	sbr.ind lr, $3  }
0x3a: {  	_ = 	snop  }
0x3b: {  	_ = 	snop  }
0x3c: {  	p2 =	seq.s32 s10, $0x1;
	s10 =	sld [smem:$0x3FBB]  }
0x3d: {  	_ =	shalt  }
0x3e: {  	_ =	shalt  }
0x3f: {  	_ =	shalt  }
0x40: {  	_ =	shalt  }
0x41: {  	_ =	shalt  }
0x42: {  	_ =	shalt  }
0x43: {  	_ =	shalt  }
0x44: {  	_ =	shalt  }
0x45: {  	_ =	shalt  }
0x46: {  	_ =	shalt  }
0x47: {  	_ =	shalt  }
0x48: {  	_ =	shalt  }
0x49: {  	_ =	shalt  }
0x4a: {  	_ =	shalt  }
0x4b: {  	_ =	shalt  }
0x4c: {  	_ =	shalt  }
0x4d: {  	_ =	shalt  }
0x4e: {  	_ =	shalt  }
0x4f: {  	_ =	shalt  }
0x50: {  	_ =	shalt  }
0x51: {  	_ =	shalt  }
0x52: {  	_ =	shalt  }
0x53: {  	_ =	shalt  }
0x54: {  	_ =	shalt  }
0x55: {  	_ =	shalt  }
0x56: {  	_ =	shalt  }
0x57: {  	_ =	shalt  }
0x58: {  	_ =	shalt  }
0x59: {  	_ =	shalt  }
0x5a: {  	_ =	shalt  }
0x5b: {  	_ =	shalt  }
0x5c: {  	_ =	shalt  }
0x5d: {  	_ =	shalt  }
0x5e: {  	_ =	shalt  }
0x5f: {  	_ =	shalt  }
0x60: {  	_ =	shalt  }
0x61: {  	_ =	shalt  }
0x62: {  	_ =	shalt  }
0x63: {  	_ =	shalt  }
0x64: {  	_ =	shalt  }
0x65: {  	_ =	shalt  }
0x66: {  	_ =	shalt  }
0x67: {  	_ =	shalt  }
0x68: {  	_ =	shalt  }
0x69: {  	_ =	shalt  }
0x6a: {  	_ =	shalt  }
0x6b: {  	_ =	shalt  }
0x6c: {  	_ =	shalt  }
0x6d: {  	_ =	shalt  }
0x6e: {  	_ =	shalt  }
0x6f: {  	_ =	shalt  }
0x70: {  	_ =	shalt  }
0x71: {  	_ =	shalt  }
0x72: {  	_ =	shalt  }
0x73: {  	_ =	shalt  }
0x74: {  	_ =	shalt  }
0x75: {  	_ =	shalt  }
0x76: {  	_ =	shalt  }
0x77: {  	_ =	shalt  }
0x78: {  	_ =	shalt  }
0x79: {  	_ =	shalt  }
0x7a: {  	_ =	shalt  }
0x7b: {  	_ =	shalt  }
0x7c: {  	_ =	shalt  }
0x7d: {  	_ =	shalt  }
0x7e: {  	_ =	shalt  }
0x7f: {  	_ =	shalt  }
0x80: {  	_ =	shalt  }
0x81: {  	_ =	shalt  }
0x82: {  	_ =	shalt  }
0x83: {  	_ =	shalt  }
0x84: {  	_ =	shalt  }
0x85: {  	_ =	shalt  }
0x86: {  	_ =	shalt  }
0x87: {  	_ =	shalt  }
.Lfunc_end0:
.L_simem_size_0:
called_computation_lowered:
.L_overlay_start_0:
0x88: {  	s2 =	sld [smem:$0x3FD9]  }
0x89: {  	s3 =	sld [smem:$0x3FFE];
	_ =	sdelay $0x1  }
0x8a: {  	s1 =	srdreg.scid  }
0x8b: {  	s0 =	sand.u32 $0x1, s1  }
0x8c: {  	s18 =	sshll.u32 s0, $0xA;
	s2 =	sadd.s32 s3, s2  }
0x8d: {  	s2 =	sadd.s32 s2, s18  }
0x8e: {  	[smem:$0x3FC7] =	sst s2  }
0x8f: {  	_ = 	snop  }
0x90: {  	s2 =	sld [smem:$0x3FC9]  }
0x91: {  	s19 =	sld [smem:$0x3FD0];
	(tm) =	ssettm $0x1  }
0x92: {  	s4 =	sld [smem:$0x3FFB];
	_ =	sdelay $0x3  }
0x93: {  	_ =	strace s4  }
0x94: {  	s4 =	sld [smem:$0x3FFC];
	_ =	sdelay $0x3  }
0x95: {  	_ =	strace s4  }
0x96: {  	s4 =	sld [smem:$0x3FFD];
	_ =	sdelay $0x3  }
0x97: {  	_ =	strace s4  }
0x98: {  	_ =	strace $0x8FFFFFFF  }
0x99: {  	s20 =	sld [smem:$0x3FDB];
	_ =	sdelay $0x1  }
0x9a: {  	s5 =	simm.s32 $_scs_section_size  }
0x9b: {  	s6 =	simm.s32 $_size__tile_overlayer_lowered;
	s7 =	simm.s32 $_tile_overlayer_lowered  }
0x9c: {  	s23 =	simm.s32 $0x1BFF;
	s22 =	sshll.u32 s7, $0x1;
	s4 =	sadd.s32 s5, s20  }
0x9d: {  	s8 =	simm.s32 $0x0;
	s21 =	sshll.u32 s6, $0x1;
	s6 =	sadd.s32 s22, s4  }
0x9e: {  	[timem:s8], [sflag:s23] =	dma.local [hbm:s6], s21  }
0x9f: {  	_ =	swait.ge [sflag:s23], s21  }
0xa0: {  	s5 =	ssub.s32 $0x0, s21;
	[sflag:s23] =	ssyncset.done $0x0  }
0xa1: {  	[sflag:s23] =	ssyncadd.s32 s5;
	_ =	sdelay $0x1  }
0xa2: {  	s24 =	simm.s32 $0x1B8B  }
0xa3: {  	_ =	swait.ge [sflag:s24], $0x1  }
0xa4: {  	[sflag:s24] =	ssyncset.done $0x0  }
0xa5: {  	s25 =	simm.s32 $0x1B8E;
	[sflag:s24] =	ssyncadd.s32 $0xFFFFFFFF  }
0xa6: {  	s26 =	simm.s32 $execute0_lowered;
	[smem:$0x3FD2] =	sst s25  }
0xa7: {  	s5 =	sshll.u32 s26, $0x1;
	_ =	strace $0x80000046;
	[dreg:$0x1] =	wrdreg $0xFFFFFFFF  }
0xa8: {  	s28 =	simm.s32 $_size_execute0_lowered;
	s4 =	sadd.s32 s4, s5;
	[dreg:$0x0] =	wrdreg $0x0  }
0xa9: {  	s5 =	sshll.u32 s28, $0x1;
	[dreg:$0x2] =	wrdreg s4  }
0xaa: {  	[dreg:$0x3] =	wrdreg s5  }
0xab: {  	[dreg:$0x4] =	wrdreg $0xC0  }
0xac: {  	_ =	task [dreg:s8], $0x5FFFF  }
0xad: {  	[dreg:$0x1] =	wrdreg $0xFFFFFFFF  }
0xae: {  	[dreg:$0x0] =	wrdreg $0x60  }
0xaf: {  	[dreg:$0x2] =	wrdreg s2  }
0xb0: {  	[dreg:$0x3] =	wrdreg s19  }
0xb1: {  	[dreg:$0x4] =	wrdreg $0x9  }
0xb2: {  	_ =	task.clear_ibuf [dreg:s8], $0x5FFFF;
	_ =	strace $0x90000046  }
0xb3: {  	s29 =	simm.s32 $0x9;
	_ =	strace $0x80000048  }
0xb4: {  	_ =	swait.ge [sflag:s29], $0x1  }
0xb5: {  	[sflag:s29] =	ssyncadd.s32 $0xFFFFFFFF  }
0xb6: {  	_ =	strace $0x90000048  }
0xb7: {  	_ =	sfence  }
0xb8: {  	s30 =	sld [smem:$0x0];
	_ =	sdelay $0x2  }
0xb9: {  	s31 =	sshll.u32 s1, $0xD;
	s1 =	sshrl.u32 s1, $0x2  }
0xba: {  	s3 =	sand.u32 $0x4000, s31;
	s1 =	sadd.s32 s1, s30  }
0xbb: {  	s0 =	sor.u32 s3, s0;
	s1 =	sshll.u32 s1, $0x11  }
0xbc: {  	s0 =	sor.u32 s1, s0  }
0xbd: {  	s0 =	sadd.s32 $0x8F2B, s0  }
0xbe: {  	[sflag:s0] =	ssyncadd.remote.s32 $0x1  }
0xbf: {  	_ =	sfence.sel $0xFFFF  }
0xc0: {  	[dreg:$0x0] =	wrdreg $0xFFFFFFFF;
	(pc) =	sbr.abs _section_cstart, $3  }
0xc1: {  	[dreg:$0x1] =	wrdreg $0xFFFFFFFF  }
0xc2: {  	_ =	task.clear_ibuf [dreg:s8], $0x2FFFF;
	_ =	strace $0x9FFFFFFF  }
0xc3: {  	(tm) =	ssettm $0x7FFFFFFF  }
tec
execute0_lowered:
.L_overlay_start_1:
0x0: {  	(tag) =	ssettag $0x1  }
0x1: {  	s4 =	rddreg [dreg:$0x0]  }
0x2: {  	s14 =	rddreg [dreg:$0x1]  }
0x3: {  	s2 =	simm.s32 $0x0;
	s3 =	srdreg.scid;
	s1 =	stileid.u32  }
0x4: {  	[smem:$0x7FF] =	sst s2;
	s16 =	sand.u32 $0x1, s3;
	s21 =	sshll.u32 s1, $0x1  }
0x5: {  	s0 =	rddreg [dreg:$0x2];
	_ =	strace $0x80000047;
	s3 =	sor.u32 s16, s21  }
0x6: {  	s9 =	sshll.u32 s3, $0x11;
	s5 =	sshll.u32 s3, $0xE;
	s8 =	sshll.u32 s3, $0x16  }
0x7: {  	s3 =	sadd.s32 s4, s5;
	s13 =	sor.u32 $0x10000, s9;
	s11 =	sand.u32 $0xC00000, s8  }
0x8: {  	s7 =	sadd.s32 $0x400000, s8;
	s5 =	simm.s32 $0x10000;
	s8 =	sadd.s32 $0xC00000, s8  }
0x9: {  	s22 =	sshrl.u32 s13, $0x3;
	s6 =	sor.u32 s9, s11;
	s12 =	sand.u32 $0xC00000, s7  }
0xa: {  	[tilespmem:s2], [sflag:$0x1] =	stream.linear.gather [hbm4b:s3+s2], $0x10000, $0x38;
	v63 =	vld [tilespmem:$0x0]  }
0xb: {  	s4 =	sadd.s32 s4, s22;
	s10 =	sshrl.u32 s6, $0x3;
	s6 =	simm.s32 $0x1  }
0xc: {  	[tilespmem:s5], [sflag:$0x1] =	stream.linear.gather [hbm4b:s4+s2], $0x10000, $0x38;
	v63 =	vld [tilespmem:$0x0]  }
0xd: {  	s24 =	sxor.u32 $0x800000, s11;
	s18 =	sand.u32 $0xC00000, s8;
	_ =	swait.ge [sflag:s6], $0x10000  }
0xe: {  	s15 =	sor.u32 s9, s12;
	s17 =	sor.u32 s9, s24;
	[sflag:s6] =	ssyncset.done $0x0  }
0xf: {  	s7 =	sadd.s32 s14, s10;
	s23 =	sshrl.u32 s15, $0x3;
	[sflag:s6] =	ssyncadd.s32 $0xFFFF0000  }
0x10: {  	[hbm4b:s7+s2] =	stream.linear.scatter [tilespmem:s2], [sflag:$0x2], $0x10000, $0x38;
	v63 =	vld [tilespmem:$0x0]  }
0x11: {  	s26 =	sor.u32 s9, s18;
	s25 =	sshrl.u32 s17, $0x3;
	s8 =	sadd.s32 s14, s23  }
0x12: {  	[hbm4b:s8+s2] =	stream.linear.scatter [tilespmem:s2], [sflag:$0x2], $0x10000, $0x38;
	v63 =	vld [tilespmem:$0x0]  }
0x13: {  	s28 =	sshrl.u32 s26, $0x3;
	s9 =	sadd.s32 s14, s25  }
0x14: {  	[hbm4b:s9+s2] =	stream.linear.scatter [tilespmem:s2], [sflag:$0x2], $0x10000, $0x38;
	v63 =	vld [tilespmem:$0x0]  }
0x15: {  	s11 =	sor.u32 s13, s11;
	s10 =	sadd.s32 s14, s28  }
0x16: {  	[hbm4b:s10+s2] =	stream.linear.scatter [tilespmem:s2], [sflag:$0x2], $0x10000, $0x38;
	v63 =	vld [tilespmem:$0x0]  }
0x17: {  	s11 =	sshrl.u32 s11, $0x3;
	_ =	swait.ge [sflag:s6], $0x10000  }
0x18: {  	s12 =	sor.u32 s13, s12;
	s11 =	sadd.s32 s14, s11;
	[sflag:s6] =	ssyncset.done $0x0  }
0x19: {  	s12 =	sshrl.u32 s12, $0x3;
	s15 =	sor.u32 s13, s24;
	[sflag:s6] =	ssyncadd.s32 $0xFFFF0000  }
0x1a: {  	[hbm4b:s11+s2] =	stream.linear.scatter [tilespmem:s5], [sflag:$0x2], $0x10000, $0x38;
	v63 =	vld [tilespmem:$0x0]  }
0x1b: {  	s29 =	sor.u32 s13, s18;
	s12 =	sadd.s32 s14, s12;
	s15 =	sshrl.u32 s15, $0x3  }
0x1c: {  	[hbm4b:s12+s2] =	stream.linear.scatter [tilespmem:s5], [sflag:$0x2], $0x10000, $0x38;
	v63 =	vld [tilespmem:$0x0]  }
0x1d: {  	s30 =	sshrl.u32 s29, $0x3;
	s13 =	sadd.s32 s14, s15  }
0x1e: {  	[hbm4b:s13+s2] =	stream.linear.scatter [tilespmem:s5], [sflag:$0x2], $0x10000, $0x38;
	v63 =	vld [tilespmem:$0x0]  }
0x1f: {  	s15 =	sadd.s32 s14, s30;
	s14 =	simm.s32 $0x2  }
0x20: {  	[hbm4b:s15+s2] =	stream.linear.scatter [tilespmem:s5], [sflag:$0x2], $0x10000, $0x38;
	v63 =	vld [tilespmem:$0x0]  }
0x21: {  	_ =	swait.ge [sflag:s14], $0x10000  }
0x22: {  	[sflag:s14] =	ssyncset.done $0x0  }
0x23: {  	[sflag:s14] =	ssyncadd.s32 $0xFFFF0000  }
0x24: {  	_ =	swait.ge [sflag:s14], $0x10000  }
0x25: {  	[sflag:s14] =	ssyncset.done $0x0  }
0x26: {  	[sflag:s14] =	ssyncadd.s32 $0xFFFF0000  }
0x27: {  	_ =	swait.ge [sflag:s14], $0x10000  }
0x28: {  	[sflag:s14] =	ssyncset.done $0x0  }
0x29: {  	[sflag:s14] =	ssyncadd.s32 $0xFFFF0000  }
0x2a: {  	_ =	swait.ge [sflag:s14], $0x10000  }
0x2b: {  	[sflag:s14] =	ssyncset.done $0x0  }
0x2c: {  	[sflag:s14] =	ssyncadd.s32 $0xFFFF0000  }
0x2d: {  	_ =	swait.ge [sflag:s14], $0x10000  }
0x2e: {  	s16 =	ssub.s32 $0x2, s16;
	[sflag:s14] =	ssyncset.done $0x0  }
0x2f: {  	s31 =	sshrl.u32 s16, $0x1;
	[sflag:s14] =	ssyncadd.s32 $0xFFFF0000  }
0x30: {  	s16 =	ssub.s32 s16, s31;
	_ =	swait.ge [sflag:s14], $0x10000  }
0x31: {  	s16 =	smax.u32 s16, $0x1;
	[sflag:s14] =	ssyncset.done $0x0  }
0x32: {  	p0 =	sne.s32 s16, $0x1;
	[sflag:s14] =	ssyncadd.s32 $0xFFFF0000  }
.Ltmp0:
0x33: {  	_ =	swait.ge [sflag:s14], $0x10000;
	(pc) =	sbr.rel @!p0 .LBB2_2-.Ltmp0, $4  }
0x34: {  	[sflag:s14] =	ssyncset.done $0x0  }
0x35: {  	[sflag:s14] =	ssyncadd.s32 $0xFFFF0000  }
0x36: {  	_ =	swait.ge [sflag:s14], $0x10000  }
0x37: {  	s16 =	sadd.s32 $0xFFFFFFFF, s16;
	[sflag:s14] =	ssyncset.done $0x0  }
.LBB2_1:
0x38: {  	p0 =	sne.s32 s16, $0x1;
	s16 =	sadd.s32 $0xFFFFFFFF, s16;
	[sflag:s14] =	ssyncadd.s32 $0xFFFF0000  }
0x39: {  	[tilespmem:s2], [sflag:$0x1] =	stream.linear.gather [hbm4b:s3+s2], $0x10000, $0x38;
	v63 =	vld [tilespmem:$0x0]  }
0x3a: {  	_ = 	snop  }
0x3b: {  	[tilespmem:s5], [sflag:$0x1] =	stream.linear.gather [hbm4b:s4+s2], $0x10000, $0x38;
	v63 =	vld [tilespmem:$0x0]  }
0x3c: {  	_ =	swait.ge [sflag:s6], $0x10000  }
0x3d: {  	[sflag:s6] =	ssyncset.done $0x0  }
0x3e: {  	[sflag:s6] =	ssyncadd.s32 $0xFFFF0000  }
0x3f: {  	[hbm4b:s7+s2] =	stream.linear.scatter [tilespmem:s2], [sflag:$0x2], $0x10000, $0x38;
	v63 =	vld [tilespmem:$0x0]  }
0x40: {  	_ = 	snop  }
0x41: {  	[hbm4b:s8+s2] =	stream.linear.scatter [tilespmem:s2], [sflag:$0x2], $0x10000, $0x38;
	v63 =	vld [tilespmem:$0x0]  }
0x42: {  	_ = 	snop  }
0x43: {  	[hbm4b:s9+s2] =	stream.linear.scatter [tilespmem:s2], [sflag:$0x2], $0x10000, $0x38;
	v63 =	vld [tilespmem:$0x0]  }
0x44: {  	_ = 	snop  }
0x45: {  	[hbm4b:s10+s2] =	stream.linear.scatter [tilespmem:s2], [sflag:$0x2], $0x10000, $0x38;
	v63 =	vld [tilespmem:$0x0]  }
0x46: {  	_ =	swait.ge [sflag:s6], $0x10000  }
0x47: {  	[sflag:s6] =	ssyncset.done $0x0  }
0x48: {  	[sflag:s6] =	ssyncadd.s32 $0xFFFF0000  }
0x49: {  	[hbm4b:s11+s2] =	stream.linear.scatter [tilespmem:s5], [sflag:$0x2], $0x10000, $0x38;
	v63 =	vld [tilespmem:$0x0]  }
0x4a: {  	_ = 	snop  }
0x4b: {  	[hbm4b:s12+s2] =	stream.linear.scatter [tilespmem:s5], [sflag:$0x2], $0x10000, $0x38;
	v63 =	vld [tilespmem:$0x0]  }
0x4c: {  	_ = 	snop  }
0x4d: {  	[hbm4b:s13+s2] =	stream.linear.scatter [tilespmem:s5], [sflag:$0x2], $0x10000, $0x38;
	v63 =	vld [tilespmem:$0x0]  }
0x4e: {  	_ = 	snop  }
0x4f: {  	[hbm4b:s15+s2] =	stream.linear.scatter [tilespmem:s5], [sflag:$0x2], $0x10000, $0x38;
	v63 =	vld [tilespmem:$0x0]  }
0x50: {  	_ =	swait.ge [sflag:s14], $0x10000  }
0x51: {  	[sflag:s14] =	ssyncset.done $0x0  }
0x52: {  	[sflag:s14] =	ssyncadd.s32 $0xFFFF0000  }
0x53: {  	_ =	swait.ge [sflag:s14], $0x10000  }
0x54: {  	[sflag:s14] =	ssyncset.done $0x0  }
0x55: {  	[sflag:s14] =	ssyncadd.s32 $0xFFFF0000  }
0x56: {  	_ =	swait.ge [sflag:s14], $0x10000  }
0x57: {  	[sflag:s14] =	ssyncset.done $0x0  }
0x58: {  	[sflag:s14] =	ssyncadd.s32 $0xFFFF0000  }
0x59: {  	_ =	swait.ge [sflag:s14], $0x10000  }
0x5a: {  	[sflag:s14] =	ssyncset.done $0x0  }
0x5b: {  	[sflag:s14] =	ssyncadd.s32 $0xFFFF0000  }
0x5c: {  	_ =	swait.ge [sflag:s14], $0x10000  }
0x5d: {  	[sflag:s14] =	ssyncset.done $0x0  }
0x5e: {  	[sflag:s14] =	ssyncadd.s32 $0xFFFF0000  }
0x5f: {  	_ =	swait.ge [sflag:s14], $0x10000  }
0x60: {  	[sflag:s14] =	ssyncset.done $0x0  }
0x61: {  	[sflag:s14] =	ssyncadd.s32 $0xFFFF0000  }
.Ltmp1:
0x62: {  	_ =	swait.ge [sflag:s14], $0x10000;
	(pc) =	sbr.rel @p0 .LBB2_1-.Ltmp1, $4  }
0x63: {  	[sflag:s14] =	ssyncset.done $0x0  }
0x64: {  	[sflag:s14] =	ssyncadd.s32 $0xFFFF0000  }
0x65: {  	_ =	swait.ge [sflag:s14], $0x10000  }
0x66: {  	[sflag:s14] =	ssyncset.done $0x0  }
.LBB2_2:
0x67: {  	[sflag:s14] =	ssyncadd.s32 $0xFFFF0000  }
0x68: {  	_ =	sfence.sel $0x180000  }
0x69: {  	[bflag:$0x0] =	sbarrier.arrive $0xFFFF  }
0x6a: {  	p0 =	sne.s32 s1, $0x0;
	_ =	strace $0x90000047  }
0x6b: {  	s0 =	sadd.s32 @!p0 $0x100000, s0;
	[bflag:$0x2] =	sbarrier.arrive $0xFFFF  }
0x6c: {  	[sflag:s0] =	ssyncadd.tile.s32 @!p0 $0x1;
	_ =	shalt  }
.Lfunc_end2:
_tile_overlayer_lowered:
.L_overlay_start_2:
0x6d: {  	(tag) =	ssettag $0x2  }
0x6e: {  	s0 =	rddreg [dreg:$0x0];
	s2 =	stileid.u32  }
0x6f: {  	s1 =	rddreg [dreg:$0x1];
	p0 =	sne.s32 s2, $0x0  }
0x70: {  	s3 =	rddreg [dreg:$0x2];
	[bflag:$0x3] =	sbarrier.arrive $0xFFFF;
	s2 =	simm.s32 @!p0 $0x1C03  }
0x71: {  	[timem:s3], [sflag:s2] =	dma.local @!p0 [hbm:s0], s1  }
0x72: {  	s0 =	simm.s32 @!p0 $0x3  }
0x73: {  	_ =	swait.ge @!p0 [sflag:s0], s1  }
0x74: {  	s1 =	ssub.s32 @!p0 $0x0, s1;
	[sflag:s0] =	ssyncset.done @!p0 $0x0  }
0x75: {  	[sflag:s0] =	ssyncadd.s32 @!p0 s1  }
0x76: {  	[bflag:$0x3] =	sbarrier.arrive $0xFFFF  }
0x77: {  	_ =	shalt  }

</sc_bundles>
